<compile_context>
chip_gen: v7x
topology: tpu7x:2x2x1
jax: 0.10.2.dev20260603
libtpu: 0.0.44.dev20260713+nightly
codegen_flags: <defaults>
</compile_context>

<pallas_src>
import functools

import jax
import jax.numpy as jnp
from jax import lax
from jax.experimental import pallas as pl
from jax.experimental.pallas import tpu as pltpu
from jax.experimental.pallas import tpu_sc as plsc

MAX_LEN = 2048
D_HALF = 64
BATCH = 4096
HIST = 200

PAIRS = BATCH * HIST
M = PAIRS * 2
NUM_WORKERS = 32
PCHUNK = PAIRS // NUM_WORKERS
KP = 200
NBLK = PCHUNK // KP
NBUF = 2
SK = 2048
NSTG = 2 * PCHUNK // SK

_mesh = plsc.VectorSubcoreMesh(core_axis_name="c", subcore_axis_name="s")


@functools.partial(
    pl.kernel,
    mesh=_mesh,
    out_type=jax.ShapeDtypeStruct((PAIRS, 2 * D_HALF), jnp.float32),
    scratch_types=[
        pltpu.VMEM((PCHUNK,), jnp.int32),
        pltpu.VMEM((PCHUNK,), jnp.int32),
        [pltpu.VMEM((KP, D_HALF), jnp.float32) for _ in range(NBUF)],
        [pltpu.VMEM((KP, D_HALF), jnp.float32) for _ in range(NBUF)],
        pltpu.MemorySpace.VMEM_SHARED((MAX_LEN * 2, D_HALF), jnp.float32),
        [pltpu.SemaphoreType.DMA for _ in range(NBUF)],
        [pltpu.SemaphoreType.DMA for _ in range(NBUF)],
        [pltpu.SemaphoreType.DMA for _ in range(NBUF)],
        [pltpu.SemaphoreType.DMA for _ in range(NBUF)],
    ],
    compiler_params=pltpu.CompilerParams(use_tc_tiling_on_sc=False, needs_layout_passes=False),
)
def _pe_gather(idx0_hbm, idx1_hbm, table_hbm, out_hbm, idx0_v, idx1_v,
               rows_e, rows_o, shared_tab, gesems, gosems,
               wesems, wosems):
    wid = lax.axis_index("s") * 2 + lax.axis_index("c")
    pbase = wid * PCHUNK

    @pl.when(lax.axis_index("s") == 0)
    def _stage_table():
        pltpu.sync_copy(table_hbm, shared_tab)

    pltpu.sync_copy(idx0_hbm.at[pl.ds(pbase, PCHUNK)], idx0_v)
    pltpu.sync_copy(idx1_hbm.at[pl.ds(pbase, PCHUNK)], idx1_v)
    plsc.subcore_barrier()

    def start_gather(g, r):
        pltpu.async_copy(
            shared_tab.at[idx0_v.at[pl.ds(g * KP, KP)]], rows_e[r],
            gesems[r])
        pltpu.async_copy(
            shared_tab.at[idx1_v.at[pl.ds(g * KP, KP)]], rows_o[r],
            gosems[r])

    for r in range(NBUF):
        start_gather(r, r)

    def body(t, carry):
        for r in range(NBUF):
            g = t * NBUF + r
            off = pbase + g * KP
            pltpu.make_async_copy(
                shared_tab.at[idx0_v.at[pl.ds(0, KP)]], rows_e[r],
                gesems[r]).wait()
            pltpu.async_copy(
                rows_e[r],
                out_hbm.at[pl.ds(off, KP), pl.ds(0, D_HALF)], wesems[r])
            pltpu.make_async_copy(
                shared_tab.at[idx1_v.at[pl.ds(0, KP)]], rows_o[r],
                gosems[r]).wait()
            pltpu.async_copy(
                rows_o[r],
                out_hbm.at[pl.ds(off, KP), pl.ds(D_HALF, D_HALF)],
                wosems[r])
        for r in range(NBUF):
            g_next = t * NBUF + r + NBUF
            pltpu.make_async_copy(
                rows_e[r],
                out_hbm.at[pl.ds(pbase, KP), pl.ds(0, D_HALF)],
                wesems[r]).wait()
            pltpu.make_async_copy(
                rows_o[r],
                out_hbm.at[pl.ds(pbase, KP), pl.ds(D_HALF, D_HALF)],
                wosems[r]).wait()

            @pl.when(g_next < NBLK)
            def _():
                start_gather(g_next, r)

        return carry

    lax.fori_loop(0, NBLK // NBUF, body, 0)


def kernel(deltas, pe):
    idx0 = deltas[..., 0].reshape(PAIRS) * 2
    idx1 = deltas[..., 1].reshape(PAIRS) * 2 + 1
    table = pe.reshape(MAX_LEN * 2, D_HALF)
    out = _pe_gather(idx0, idx1, table)
    return out.reshape(BATCH, HIST, 2 * D_HALF)

# --- scband reference (transcript-rebuilt; emitter-appended) ---
"""Pipeline reference for scband-positional-encoding-33629593927772 (READ-ONLY COPY).

The authoritative reference and input builder live on the scoring server;
editing this copy changes nothing except your own understanding.
"""

import jax, jax.numpy as jnp
import numpy as np

MAX_LEN = 2048
D_MODEL = 128
D_HALF = D_MODEL // 2  # pe stores d_model//2 per slot, concat of two halves restores d_model
BATCH = 4096
HIST = 200


def setup_inputs(seed: int = 0) -> dict:
    key = jax.random.key(seed)
    k1, k2 = jax.random.split(key)
    deltas = jax.random.randint(k1, (BATCH, HIST, 2), 0, MAX_LEN, dtype=jnp.int32)
    # learned positional-encoding parameter: [max_len, 2, d_model//2]
    pe = jax.random.normal(k2, (MAX_LEN, 2, D_HALF), dtype=jnp.float32)
    return {"deltas": deltas, "pe": pe}


def reference(deltas, pe):
    # pe1 = self.pe[deltas[..., 0], 0]
    pe1 = pe[deltas[..., 0], 0]
    # pe2 = self.pe[deltas[..., 1], 1]
    pe2 = pe[deltas[..., 1], 1]
    # torch.cat([pe1, pe2], -1)
    return jnp.concatenate([pe1, pe2], axis=-1)

if __name__ == "__main__":
    import jax
    _d = setup_inputs()
    print(jax.jit(kernel)(*tuple(_d.values())))

</pallas_src>

<mosaic_0001>
#map = affine_map<(d0, d1) -> (0)>
#map1 = affine_map<(d0, d1) -> (0, 0)>
module attributes {stable_mosaic.version = 14 : i64} {
  func.func @_pe_gather(%arg0: i32, %arg1: i32, %arg2: memref<819200xi32, #tpu.memory_space<hbm>>, %arg3: memref<819200xi32, #tpu.memory_space<hbm>>, %arg4: memref<4096x64xf32, #tpu.memory_space<hbm>>, %arg5: memref<819200x128xf32, #tpu.memory_space<hbm>>, %arg6: memref<25600xi32, #tpu.memory_space<vmem>>, %arg7: memref<25600xi32, #tpu.memory_space<vmem>>, %arg8: memref<200x64xf32, #tpu.memory_space<vmem>>, %arg9: memref<200x64xf32, #tpu.memory_space<vmem>>, %arg10: memref<200x64xf32, #tpu.memory_space<vmem>>, %arg11: memref<200x64xf32, #tpu.memory_space<vmem>>, %arg12: memref<4096x64xf32, #tpu.memory_space<vmem_shared>>, %arg13: memref<!tpu.dma_semaphore, #tpu.memory_space<semaphore_mem>>, %arg14: memref<!tpu.dma_semaphore, #tpu.memory_space<semaphore_mem>>, %arg15: memref<!tpu.dma_semaphore, #tpu.memory_space<semaphore_mem>>, %arg16: memref<!tpu.dma_semaphore, #tpu.memory_space<semaphore_mem>>, %arg17: memref<!tpu.dma_semaphore, #tpu.memory_space<semaphore_mem>>, %arg18: memref<!tpu.dma_semaphore, #tpu.memory_space<semaphore_mem>>, %arg19: memref<!tpu.dma_semaphore, #tpu.memory_space<semaphore_mem>>, %arg20: memref<!tpu.dma_semaphore, #tpu.memory_space<semaphore_mem>>) attributes {dimension_semantics = [#tpu.dimension_semantics<core_parallel>, #tpu.dimension_semantics<subcore_parallel>], iteration_bounds = array<i64: 2, 16>, scalar_prefetch = 0 : i64, scratch_operands = 15 : i64, tpu.core_type = #tpu.core_type<sc_vector_subcore>, window_params = [{transform_indices = #map}, {transform_indices = #map}, {transform_indices = #map1}, {transform_indices = #map1}]} {
    %mul3A = arith.constant 2 : i32
    %mul3A_0 = arith.muli %arg1, %mul3A : i32
    %add3A = arith.addi %mul3A_0, %arg0 : i32
    %mul3A_1 = arith.constant 25600 : i32
    %mul3A_2 = arith.muli %add3A, %mul3A_1 : i32
    %eq3A = arith.constant 0 : i32
    %eq3A_3 = arith.cmpi eq, %arg1, %eq3A : i32
    %convert_element_type3A = arith.extui %eq3A_3 : i1 to i32
    %cond3A = arith.constant 0 : i32
    %cond3A_4 = arith.cmpi ne, %convert_element_type3A, %cond3A : i32
    scf.if %cond3A_4 {
      "tpu.region"() ({
        %run_scoped3A = tpu.sem_alloc : memref<!tpu.dma_semaphore, #tpu.memory_space<semaphore_mem>>
        tpu.enqueue_dma source(%arg4 : memref<4096x64xf32, #tpu.memory_space<hbm>>) target(%arg12 : memref<4096x64xf32, #tpu.memory_space<vmem_shared>>) target_semaphore(%run_scoped3A : memref<!tpu.dma_semaphore, #tpu.memory_space<semaphore_mem>>)
        tpu.wait_dma2 semaphore(%run_scoped3A : memref<!tpu.dma_semaphore, #tpu.memory_space<semaphore_mem>>) src(%arg4 : memref<4096x64xf32, #tpu.memory_space<hbm>>) dst(%arg12 : memref<4096x64xf32, #tpu.memory_space<vmem_shared>>)
        tpu.yield
      }) : () -> ()
    } else {
    }
    "tpu.region"() ({
      %run_scoped3A = tpu.sem_alloc : memref<!tpu.dma_semaphore, #tpu.memory_space<semaphore_mem>>
      %dma_start3A_29 = tpu.memref_slice %arg2[%mul3A_2] : memref<819200xi32, #tpu.memory_space<hbm>> -> memref<25600xi32, #tpu.memory_space<hbm>>
      %dma_start3A_30 = tpu.memref_slice %arg2[%mul3A_2] : memref<819200xi32, #tpu.memory_space<hbm>> -> memref<25600xi32, #tpu.memory_space<hbm>>
      tpu.enqueue_dma source(%dma_start3A_30 : memref<25600xi32, #tpu.memory_space<hbm>>) target(%arg6 : memref<25600xi32, #tpu.memory_space<vmem>>) target_semaphore(%run_scoped3A : memref<!tpu.dma_semaphore, #tpu.memory_space<semaphore_mem>>)
      %dma_wait3A = tpu.memref_slice %arg2[%mul3A_2] : memref<819200xi32, #tpu.memory_space<hbm>> -> memref<25600xi32, #tpu.memory_space<hbm>>
      %dma_wait3A_31 = tpu.memref_slice %arg2[%mul3A_2] : memref<819200xi32, #tpu.memory_space<hbm>> -> memref<25600xi32, #tpu.memory_space<hbm>>
      tpu.wait_dma2 semaphore(%run_scoped3A : memref<!tpu.dma_semaphore, #tpu.memory_space<semaphore_mem>>) src(%dma_wait3A_31 : memref<25600xi32, #tpu.memory_space<hbm>>) dst(%arg6 : memref<25600xi32, #tpu.memory_space<vmem>>)
      tpu.yield
    }) : () -> ()
    "tpu.region"() ({
      %run_scoped3A = tpu.sem_alloc : memref<!tpu.dma_semaphore, #tpu.memory_space<semaphore_mem>>
      %dma_start3A_29 = tpu.memref_slice %arg3[%mul3A_2] : memref<819200xi32, #tpu.memory_space<hbm>> -> memref<25600xi32, #tpu.memory_space<hbm>>
      %dma_start3A_30 = tpu.memref_slice %arg3[%mul3A_2] : memref<819200xi32, #tpu.memory_space<hbm>> -> memref<25600xi32, #tpu.memory_space<hbm>>
      tpu.enqueue_dma source(%dma_start3A_30 : memref<25600xi32, #tpu.memory_space<hbm>>) target(%arg7 : memref<25600xi32, #tpu.memory_space<vmem>>) target_semaphore(%run_scoped3A : memref<!tpu.dma_semaphore, #tpu.memory_space<semaphore_mem>>)
      %dma_wait3A = tpu.memref_slice %arg3[%mul3A_2] : memref<819200xi32, #tpu.memory_space<hbm>> -> memref<25600xi32, #tpu.memory_space<hbm>>
      %dma_wait3A_31 = tpu.memref_slice %arg3[%mul3A_2] : memref<819200xi32, #tpu.memory_space<hbm>> -> memref<25600xi32, #tpu.memory_space<hbm>>
      tpu.wait_dma2 semaphore(%run_scoped3A : memref<!tpu.dma_semaphore, #tpu.memory_space<semaphore_mem>>) src(%dma_wait3A_31 : memref<25600xi32, #tpu.memory_space<hbm>>) dst(%arg7 : memref<25600xi32, #tpu.memory_space<vmem>>)
      tpu.yield
    }) : () -> ()
    %barrier3A = arith.constant 0 : index
    tpu.barrier barrier_id(%barrier3A)
    %dma_start3A = arith.constant 0 : i32
    %dma_start3A_5 = tpu.memref_slice %arg6[%dma_start3A] : memref<25600xi32, #tpu.memory_space<vmem>> -> memref<200xi32, #tpu.memory_space<vmem>>
    %dma_start3A_6 = arith.constant 0 : i32
    %dma_start3A_7 = arith.constant 0 : i32
    %dma_start3A_8 = tpu.memref_slice %arg12[%dma_start3A_6, %dma_start3A_7] : memref<4096x64xf32, #tpu.memory_space<vmem_shared>> -> memref<4096x64xf32, #tpu.memory_space<vmem_shared>>
    tpu.enqueue_indirect_dma source(%dma_start3A_8 : memref<4096x64xf32, #tpu.memory_space<vmem_shared>>) target(%arg8 : memref<200x64xf32, #tpu.memory_space<vmem>>) offsets(%dma_start3A_5 : memref<200xi32, #tpu.memory_space<vmem>>) semaphore(%arg13 : memref<!tpu.dma_semaphore, #tpu.memory_space<semaphore_mem>>)
    %dma_start3A_9 = arith.constant 0 : i32
    %dma_start3A_10 = tpu.memref_slice %arg7[%dma_start3A_9] : memref<25600xi32, #tpu.memory_space<vmem>> -> memref<200xi32, #tpu.memory_space<vmem>>
    %dma_start3A_11 = arith.constant 0 : i32
    %dma_start3A_12 = arith.constant 0 : i32
    %dma_start3A_13 = tpu.memref_slice %arg12[%dma_start3A_11, %dma_start3A_12] : memref<4096x64xf32, #tpu.memory_space<vmem_shared>> -> memref<4096x64xf32, #tpu.memory_space<vmem_shared>>
    tpu.enqueue_indirect_dma source(%dma_start3A_13 : memref<4096x64xf32, #tpu.memory_space<vmem_shared>>) target(%arg10 : memref<200x64xf32, #tpu.memory_space<vmem>>) offsets(%dma_start3A_10 : memref<200xi32, #tpu.memory_space<vmem>>) semaphore(%arg15 : memref<!tpu.dma_semaphore, #tpu.memory_space<semaphore_mem>>)
    %dma_start3A_14 = arith.constant 200 : i32
    %dma_start3A_15 = tpu.memref_slice %arg6[%dma_start3A_14] : memref<25600xi32, #tpu.memory_space<vmem>> -> memref<200xi32, #tpu.memory_space<vmem>>
    %dma_start3A_16 = arith.constant 0 : i32
    %dma_start3A_17 = arith.constant 0 : i32
    %dma_start3A_18 = tpu.memref_slice %arg12[%dma_start3A_16, %dma_start3A_17] : memref<4096x64xf32, #tpu.memory_space<vmem_shared>> -> memref<4096x64xf32, #tpu.memory_space<vmem_shared>>
    tpu.enqueue_indirect_dma source(%dma_start3A_18 : memref<4096x64xf32, #tpu.memory_space<vmem_shared>>) target(%arg9 : memref<200x64xf32, #tpu.memory_space<vmem>>) offsets(%dma_start3A_15 : memref<200xi32, #tpu.memory_space<vmem>>) semaphore(%arg14 : memref<!tpu.dma_semaphore, #tpu.memory_space<semaphore_mem>>)
    %dma_start3A_19 = arith.constant 200 : i32
    %dma_start3A_20 = tpu.memref_slice %arg7[%dma_start3A_19] : memref<25600xi32, #tpu.memory_space<vmem>> -> memref<200xi32, #tpu.memory_space<vmem>>
    %dma_start3A_21 = arith.constant 0 : i32
    %dma_start3A_22 = arith.constant 0 : i32
    %dma_start3A_23 = tpu.memref_slice %arg12[%dma_start3A_21, %dma_start3A_22] : memref<4096x64xf32, #tpu.memory_space<vmem_shared>> -> memref<4096x64xf32, #tpu.memory_space<vmem_shared>>
    tpu.enqueue_indirect_dma source(%dma_start3A_23 : memref<4096x64xf32, #tpu.memory_space<vmem_shared>>) target(%arg11 : memref<200x64xf32, #tpu.memory_space<vmem>>) offsets(%dma_start3A_20 : memref<200xi32, #tpu.memory_space<vmem>>) semaphore(%arg16 : memref<!tpu.dma_semaphore, #tpu.memory_space<semaphore_mem>>)
    %scan3A = arith.constant 0 : i32
    %scan3A_24 = arith.constant 0 : i32
    %scan3A_25 = arith.constant 64 : i32
    %scan3A_26 = arith.addi %scan3A_24, %scan3A_25 : i32
    %scan3A_27 = arith.constant 1 : i32
    scf.for %scan3A_29 = %scan3A_24 to %scan3A_26 step %scan3A_27  : i32 {
      %mul3A_30 = arith.constant 2 : i32
      %mul3A_31 = arith.muli %scan3A_29, %mul3A_30 : i32
      %add3A_32 = arith.constant 0 : i32
      %add3A_33 = arith.addi %mul3A_31, %add3A_32 : i32
      %mul3A_34 = arith.constant 200 : i32
      %mul3A_35 = arith.muli %add3A_33, %mul3A_34 : i32
      %add3A_36 = arith.addi %mul3A_2, %mul3A_35 : i32
      %dma_wait3A = arith.constant 0 : i32
      %dma_wait3A_37 = tpu.memref_slice %arg6[%dma_wait3A] : memref<25600xi32, #tpu.memory_space<vmem>> -> memref<200xi32, #tpu.memory_space<vmem>>
      %dma_wait3A_38 = arith.constant 0 : i32
      %dma_wait3A_39 = arith.constant 0 : i32
      %dma_wait3A_40 = tpu.memref_slice %arg12[%dma_wait3A_38, %dma_wait3A_39] : memref<4096x64xf32, #tpu.memory_space<vmem_shared>> -> memref<4096x64xf32, #tpu.memory_space<vmem_shared>>
      tpu.wait_indirect_dma semaphore(%arg13 : memref<!tpu.dma_semaphore, #tpu.memory_space<semaphore_mem>>) src(%dma_wait3A_40 : memref<4096x64xf32, #tpu.memory_space<vmem_shared>>) dst(%arg8 : memref<200x64xf32, #tpu.memory_space<vmem>>)
      %dma_start3A_41 = arith.constant 0 : i32
      %dma_start3A_42 = tpu.memref_slice %arg5[%add3A_36, %dma_start3A_41] : memref<819200x128xf32, #tpu.memory_space<hbm>> -> memref<200x64xf32, #tpu.memory_space<hbm>>
      %dma_start3A_43 = arith.constant 0 : i32
      %dma_start3A_44 = tpu.memref_slice %arg5[%add3A_36, %dma_start3A_43] : memref<819200x128xf32, #tpu.memory_space<hbm>> -> memref<200x64xf32, #tpu.memory_space<hbm>>
      tpu.enqueue_dma source(%arg8 : memref<200x64xf32, #tpu.memory_space<vmem>>) target(%dma_start3A_44 : memref<200x64xf32, #tpu.memory_space<hbm>>) target_semaphore(%arg17 : memref<!tpu.dma_semaphore, #tpu.memory_space<semaphore_mem>>)
      %dma_wait3A_45 = arith.constant 0 : i32
      %dma_wait3A_46 = tpu.memref_slice %arg7[%dma_wait3A_45] : memref<25600xi32, #tpu.memory_space<vmem>> -> memref<200xi32, #tpu.memory_space<vmem>>
      %dma_wait3A_47 = arith.constant 0 : i32
      %dma_wait3A_48 = arith.constant 0 : i32
      %dma_wait3A_49 = tpu.memref_slice %arg12[%dma_wait3A_47, %dma_wait3A_48] : memref<4096x64xf32, #tpu.memory_space<vmem_shared>> -> memref<4096x64xf32, #tpu.memory_space<vmem_shared>>
      tpu.wait_indirect_dma semaphore(%arg15 : memref<!tpu.dma_semaphore, #tpu.memory_space<semaphore_mem>>) src(%dma_wait3A_49 : memref<4096x64xf32, #tpu.memory_space<vmem_shared>>) dst(%arg10 : memref<200x64xf32, #tpu.memory_space<vmem>>)
      %dma_start3A_50 = arith.constant 64 : i32
      %dma_start3A_51 = tpu.memref_slice %arg5[%add3A_36, %dma_start3A_50] : memref<819200x128xf32, #tpu.memory_space<hbm>> -> memref<200x64xf32, #tpu.memory_space<hbm>>
      %dma_start3A_52 = arith.constant 64 : i32
      %dma_start3A_53 = tpu.memref_slice %arg5[%add3A_36, %dma_start3A_52] : memref<819200x128xf32, #tpu.memory_space<hbm>> -> memref<200x64xf32, #tpu.memory_space<hbm>>
      tpu.enqueue_dma source(%arg10 : memref<200x64xf32, #tpu.memory_space<vmem>>) target(%dma_start3A_53 : memref<200x64xf32, #tpu.memory_space<hbm>>) target_semaphore(%arg19 : memref<!tpu.dma_semaphore, #tpu.memory_space<semaphore_mem>>)
      %mul3A_54 = arith.constant 2 : i32
      %mul3A_55 = arith.muli %scan3A_29, %mul3A_54 : i32
      %add3A_56 = arith.constant 1 : i32
      %add3A_57 = arith.addi %mul3A_55, %add3A_56 : i32
      %mul3A_58 = arith.constant 200 : i32
      %mul3A_59 = arith.muli %add3A_57, %mul3A_58 : i32
      %add3A_60 = arith.addi %mul3A_2, %mul3A_59 : i32
      %dma_wait3A_61 = arith.constant 0 : i32
      %dma_wait3A_62 = tpu.memref_slice %arg6[%dma_wait3A_61] : memref<25600xi32, #tpu.memory_space<vmem>> -> memref<200xi32, #tpu.memory_space<vmem>>
      %dma_wait3A_63 = arith.constant 0 : i32
      %dma_wait3A_64 = arith.constant 0 : i32
      %dma_wait3A_65 = tpu.memref_slice %arg12[%dma_wait3A_63, %dma_wait3A_64] : memref<4096x64xf32, #tpu.memory_space<vmem_shared>> -> memref<4096x64xf32, #tpu.memory_space<vmem_shared>>
      tpu.wait_indirect_dma semaphore(%arg14 : memref<!tpu.dma_semaphore, #tpu.memory_space<semaphore_mem>>) src(%dma_wait3A_65 : memref<4096x64xf32, #tpu.memory_space<vmem_shared>>) dst(%arg9 : memref<200x64xf32, #tpu.memory_space<vmem>>)
      %dma_start3A_66 = arith.constant 0 : i32
      %dma_start3A_67 = tpu.memref_slice %arg5[%add3A_60, %dma_start3A_66] : memref<819200x128xf32, #tpu.memory_space<hbm>> -> memref<200x64xf32, #tpu.memory_space<hbm>>
      %dma_start3A_68 = arith.constant 0 : i32
      %dma_start3A_69 = tpu.memref_slice %arg5[%add3A_60, %dma_start3A_68] : memref<819200x128xf32, #tpu.memory_space<hbm>> -> memref<200x64xf32, #tpu.memory_space<hbm>>
      tpu.enqueue_dma source(%arg9 : memref<200x64xf32, #tpu.memory_space<vmem>>) target(%dma_start3A_69 : memref<200x64xf32, #tpu.memory_space<hbm>>) target_semaphore(%arg18 : memref<!tpu.dma_semaphore, #tpu.memory_space<semaphore_mem>>)
      %dma_wait3A_70 = arith.constant 0 : i32
      %dma_wait3A_71 = tpu.memref_slice %arg7[%dma_wait3A_70] : memref<25600xi32, #tpu.memory_space<vmem>> -> memref<200xi32, #tpu.memory_space<vmem>>
      %dma_wait3A_72 = arith.constant 0 : i32
      %dma_wait3A_73 = arith.constant 0 : i32
      %dma_wait3A_74 = tpu.memref_slice %arg12[%dma_wait3A_72, %dma_wait3A_73] : memref<4096x64xf32, #tpu.memory_space<vmem_shared>> -> memref<4096x64xf32, #tpu.memory_space<vmem_shared>>
      tpu.wait_indirect_dma semaphore(%arg16 : memref<!tpu.dma_semaphore, #tpu.memory_space<semaphore_mem>>) src(%dma_wait3A_74 : memref<4096x64xf32, #tpu.memory_space<vmem_shared>>) dst(%arg11 : memref<200x64xf32, #tpu.memory_space<vmem>>)
      %dma_start3A_75 = arith.constant 64 : i32
      %dma_start3A_76 = tpu.memref_slice %arg5[%add3A_60, %dma_start3A_75] : memref<819200x128xf32, #tpu.memory_space<hbm>> -> memref<200x64xf32, #tpu.memory_space<hbm>>
      %dma_start3A_77 = arith.constant 64 : i32
      %dma_start3A_78 = tpu.memref_slice %arg5[%add3A_60, %dma_start3A_77] : memref<819200x128xf32, #tpu.memory_space<hbm>> -> memref<200x64xf32, #tpu.memory_space<hbm>>
      tpu.enqueue_dma source(%arg11 : memref<200x64xf32, #tpu.memory_space<vmem>>) target(%dma_start3A_78 : memref<200x64xf32, #tpu.memory_space<hbm>>) target_semaphore(%arg20 : memref<!tpu.dma_semaphore, #tpu.memory_space<semaphore_mem>>)
      %mul3A_79 = arith.constant 2 : i32
      %mul3A_80 = arith.muli %scan3A_29, %mul3A_79 : i32
      %add3A_81 = arith.constant 0 : i32
      %add3A_82 = arith.addi %mul3A_80, %add3A_81 : i32
      %add3A_83 = arith.constant 2 : i32
      %add3A_84 = arith.addi %add3A_82, %add3A_83 : i32
      %dma_wait3A_85 = arith.constant 0 : i32
      %dma_wait3A_86 = tpu.memref_slice %arg5[%mul3A_2, %dma_wait3A_85] : memref<819200x128xf32, #tpu.memory_space<hbm>> -> memref<200x64xf32, #tpu.memory_space<hbm>>
      %dma_wait3A_87 = arith.constant 0 : i32
      %dma_wait3A_88 = tpu.memref_slice %arg5[%mul3A_2, %dma_wait3A_87] : memref<819200x128xf32, #tpu.memory_space<hbm>> -> memref<200x64xf32, #tpu.memory_space<hbm>>
      tpu.wait_dma2 semaphore(%arg17 : memref<!tpu.dma_semaphore, #tpu.memory_space<semaphore_mem>>) src(%arg8 : memref<200x64xf32, #tpu.memory_space<vmem>>) dst(%dma_wait3A_88 : memref<200x64xf32, #tpu.memory_space<hbm>>)
      %dma_wait3A_89 = arith.constant 64 : i32
      %dma_wait3A_90 = tpu.memref_slice %arg5[%mul3A_2, %dma_wait3A_89] : memref<819200x128xf32, #tpu.memory_space<hbm>> -> memref<200x64xf32, #tpu.memory_space<hbm>>
      %dma_wait3A_91 = arith.constant 64 : i32
      %dma_wait3A_92 = tpu.memref_slice %arg5[%mul3A_2, %dma_wait3A_91] : memref<819200x128xf32, #tpu.memory_space<hbm>> -> memref<200x64xf32, #tpu.memory_space<hbm>>
      tpu.wait_dma2 semaphore(%arg19 : memref<!tpu.dma_semaphore, #tpu.memory_space<semaphore_mem>>) src(%arg10 : memref<200x64xf32, #tpu.memory_space<vmem>>) dst(%dma_wait3A_92 : memref<200x64xf32, #tpu.memory_space<hbm>>)
      %lt3A = arith.constant 128 : i32
      %lt3A_93 = arith.cmpi slt, %add3A_84, %lt3A : i32
      %convert_element_type3A_94 = arith.extui %lt3A_93 : i1 to i32
      %cond3A_95 = arith.constant 0 : i32
      %cond3A_96 = arith.cmpi ne, %convert_element_type3A_94, %cond3A_95 : i32
      scf.if %cond3A_96 {
        %mul3A_116 = arith.constant 200 : i32
        %mul3A_117 = arith.muli %add3A_84, %mul3A_116 : i32
        %dma_start3A_118 = tpu.memref_slice %arg6[%mul3A_117] : memref<25600xi32, #tpu.memory_space<vmem>> -> memref<200xi32, #tpu.memory_space<vmem>>
        %dma_start3A_119 = arith.constant 0 : i32
        %dma_start3A_120 = arith.constant 0 : i32
        %dma_start3A_121 = tpu.memref_slice %arg12[%dma_start3A_119, %dma_start3A_120] : memref<4096x64xf32, #tpu.memory_space<vmem_shared>> -> memref<4096x64xf32, #tpu.memory_space<vmem_shared>>
        tpu.enqueue_indirect_dma source(%dma_start3A_121 : memref<4096x64xf32, #tpu.memory_space<vmem_shared>>) target(%arg8 : memref<200x64xf32, #tpu.memory_space<vmem>>) offsets(%dma_start3A_118 : memref<200xi32, #tpu.memory_space<vmem>>) semaphore(%arg13 : memref<!tpu.dma_semaphore, #tpu.memory_space<semaphore_mem>>)
        %mul3A_122 = arith.constant 200 : i32
        %mul3A_123 = arith.muli %add3A_84, %mul3A_122 : i32
        %dma_start3A_124 = tpu.memref_slice %arg7[%mul3A_123] : memref<25600xi32, #tpu.memory_space<vmem>> -> memref<200xi32, #tpu.memory_space<vmem>>
        %dma_start3A_125 = arith.constant 0 : i32
        %dma_start3A_126 = arith.constant 0 : i32
        %dma_start3A_127 = tpu.memref_slice %arg12[%dma_start3A_125, %dma_start3A_126] : memref<4096x64xf32, #tpu.memory_space<vmem_shared>> -> memref<4096x64xf32, #tpu.memory_space<vmem_shared>>
        tpu.enqueue_indirect_dma source(%dma_start3A_127 : memref<4096x64xf32, #tpu.memory_space<vmem_shared>>) target(%arg10 : memref<200x64xf32, #tpu.memory_space<vmem>>) offsets(%dma_start3A_124 : memref<200xi32, #tpu.memory_space<vmem>>) semaphore(%arg15 : memref<!tpu.dma_semaphore, #tpu.memory_space<semaphore_mem>>)
      } else {
      }
      %mul3A_97 = arith.constant 2 : i32
      %mul3A_98 = arith.muli %scan3A_29, %mul3A_97 : i32
      %add3A_99 = arith.constant 1 : i32
      %add3A_100 = arith.addi %mul3A_98, %add3A_99 : i32
      %add3A_101 = arith.constant 2 : i32
      %add3A_102 = arith.addi %add3A_100, %add3A_101 : i32
      %dma_wait3A_103 = arith.constant 0 : i32
      %dma_wait3A_104 = tpu.memref_slice %arg5[%mul3A_2, %dma_wait3A_103] : memref<819200x128xf32, #tpu.memory_space<hbm>> -> memref<200x64xf32, #tpu.memory_space<hbm>>
      %dma_wait3A_105 = arith.constant 0 : i32
      %dma_wait3A_106 = tpu.memref_slice %arg5[%mul3A_2, %dma_wait3A_105] : memref<819200x128xf32, #tpu.memory_space<hbm>> -> memref<200x64xf32, #tpu.memory_space<hbm>>
      tpu.wait_dma2 semaphore(%arg18 : memref<!tpu.dma_semaphore, #tpu.memory_space<semaphore_mem>>) src(%arg9 : memref<200x64xf32, #tpu.memory_space<vmem>>) dst(%dma_wait3A_106 : memref<200x64xf32, #tpu.memory_space<hbm>>)
      %dma_wait3A_107 = arith.constant 64 : i32
      %dma_wait3A_108 = tpu.memref_slice %arg5[%mul3A_2, %dma_wait3A_107] : memref<819200x128xf32, #tpu.memory_space<hbm>> -> memref<200x64xf32, #tpu.memory_space<hbm>>
      %dma_wait3A_109 = arith.constant 64 : i32
      %dma_wait3A_110 = tpu.memref_slice %arg5[%mul3A_2, %dma_wait3A_109] : memref<819200x128xf32, #tpu.memory_space<hbm>> -> memref<200x64xf32, #tpu.memory_space<hbm>>
      tpu.wait_dma2 semaphore(%arg20 : memref<!tpu.dma_semaphore, #tpu.memory_space<semaphore_mem>>) src(%arg11 : memref<200x64xf32, #tpu.memory_space<vmem>>) dst(%dma_wait3A_110 : memref<200x64xf32, #tpu.memory_space<hbm>>)
      %lt3A_111 = arith.constant 128 : i32
      %lt3A_112 = arith.cmpi slt, %add3A_102, %lt3A_111 : i32
      %convert_element_type3A_113 = arith.extui %lt3A_112 : i1 to i32
      %cond3A_114 = arith.constant 0 : i32
      %cond3A_115 = arith.cmpi ne, %convert_element_type3A_113, %cond3A_114 : i32
      scf.if %cond3A_115 {
        %mul3A_116 = arith.constant 200 : i32
        %mul3A_117 = arith.muli %add3A_102, %mul3A_116 : i32
        %dma_start3A_118 = tpu.memref_slice %arg6[%mul3A_117] : memref<25600xi32, #tpu.memory_space<vmem>> -> memref<200xi32, #tpu.memory_space<vmem>>
        %dma_start3A_119 = arith.constant 0 : i32
        %dma_start3A_120 = arith.constant 0 : i32
        %dma_start3A_121 = tpu.memref_slice %arg12[%dma_start3A_119, %dma_start3A_120] : memref<4096x64xf32, #tpu.memory_space<vmem_shared>> -> memref<4096x64xf32, #tpu.memory_space<vmem_shared>>
        tpu.enqueue_indirect_dma source(%dma_start3A_121 : memref<4096x64xf32, #tpu.memory_space<vmem_shared>>) target(%arg9 : memref<200x64xf32, #tpu.memory_space<vmem>>) offsets(%dma_start3A_118 : memref<200xi32, #tpu.memory_space<vmem>>) semaphore(%arg14 : memref<!tpu.dma_semaphore, #tpu.memory_space<semaphore_mem>>)
        %mul3A_122 = arith.constant 200 : i32
        %mul3A_123 = arith.muli %add3A_102, %mul3A_122 : i32
        %dma_start3A_124 = tpu.memref_slice %arg7[%mul3A_123] : memref<25600xi32, #tpu.memory_space<vmem>> -> memref<200xi32, #tpu.memory_space<vmem>>
        %dma_start3A_125 = arith.constant 0 : i32
        %dma_start3A_126 = arith.constant 0 : i32
        %dma_start3A_127 = tpu.memref_slice %arg12[%dma_start3A_125, %dma_start3A_126] : memref<4096x64xf32, #tpu.memory_space<vmem_shared>> -> memref<4096x64xf32, #tpu.memory_space<vmem_shared>>
        tpu.enqueue_indirect_dma source(%dma_start3A_127 : memref<4096x64xf32, #tpu.memory_space<vmem_shared>>) target(%arg11 : memref<200x64xf32, #tpu.memory_space<vmem>>) offsets(%dma_start3A_124 : memref<200xi32, #tpu.memory_space<vmem>>) semaphore(%arg16 : memref<!tpu.dma_semaphore, #tpu.memory_space<semaphore_mem>>)
      } else {
      }
    }
    %scan3A_28 = arith.constant 64 : i32
    return
  }
}

</mosaic_0001>

<sc_bundles>
// kernel: kernel.3.cloned.1.call-start
scs
__scs_entry_jumppad:
0x0: {  	(pc) =	sbr.rel $0x88, $3  }
0x1: {  	(tag) =	ssettag $0x0;
	lr =	simm.s32 $0x1  }
0x2: {  	[smem:$0x3F9F] =	sst lr;
	_ =	strace $0xD0000000  }
0x3: {  	_ = 	snop  }
0x4: {  	_ = 	snop  }
0x5: {  	_ = 	snop  }
0x6: {  	_ = 	snop  }
0x7: {  	_ = 	snop  }
__scs_overlays_trampoline_lowered:
0x8: {  	[smem:$0x3FAE] =	sst s0  }
0x9: {  	[smem:$0x3FAF] =	sst s1  }
0xa: {  	[smem:$0x3FB0] =	sst s2  }
0xb: {  	[smem:$0x3FB1] =	sst s3  }
0xc: {  	[smem:$0x3FB2] =	sst s4  }
0xd: {  	[smem:$0x3FB3] =	sst s5  }
0xe: {  	[smem:$0x3FB4] =	sst s6  }
0xf: {  	[smem:$0x3FB5] =	sst s7  }
0x10: {  	[smem:$0x3FB6] =	sst s8  }
0x11: {  	[smem:$0x3FB7] =	sst s9;
	s0 =	simm.s32 @!p0 $0x0  }
0x12: {  	s1 =	sld [smem:$0x3F9D];
	s0 =	simm.s32 @p0 $0x1  }
0x13: {  	[smem:$0x3FB8] =	sst s0;
	s0 =	simm.s32 @!p1 $0x0  }
0x14: {  	s2 =	sld [smem:$0x3F9C];
	s0 =	simm.s32 @p1 $0x1  }
0x15: {  	[smem:$0x3FB9] =	sst s0;
	s0 =	simm.s32 @!p2 $0x0  }
0x16: {  	s3 =	sld [smem:$0x3FDB];
	s0 =	simm.s32 @p2 $0x1  }
0x17: {  	s4 =	simm.s32 $0x1BF5;
	[smem:$0x3FBB] =	sst s0  }
0x18: {  	s0 =	sld [smem:$0x3F9E];
	_ =	swait.ge [sflag:s4], $0x0  }
0x19: {  	s7 =	sld [smem:$0x3F9F]  }
0x1a: {  	s8 =	sadd.s32 $0xFFFFE003, lr  }
0x1b: {  	s9 =	sadd.s32 $0xFFFFFEF7, lr;
	s5 =	simm.s32 $0xFFFFFFFF;
	p2 =	slt.u32 s8, $0xFFFFF086  }
0x1c: {  	p1 =	slt.u32 s9, $0xF7A;
	s5 =	simm.s32 @!p2 $0x0  }
0x1d: {  	s5 =	simm.s32 @p1 $0x1;
	p0 =	seq.s32 s7, s2  }
0x1e: {  	s7 =	smul.u32 @!p0 $0xF7A, s2;
	p2 =	seq.s32 @!p0 s5, $0x0  }
0x1f: {  	s9 =	smul.u32 $0xF7A, s1;
	s8 =	simm.s32 @!p0 $0x1BF5;
	p2 =	por !p2, p0  }
0x20: {  	[sflag:s8] =	ssyncset.s32 @!p0 $0xFFFFF086;
	s6 =	sadd.s32 @!p0 s3, s7;
	s7 =	simm.s32 @!p0 $0x108  }
0x21: {  	s3 =	sadd.s32 s3, s9;
	s6 =	sadd.s32 @!p0 $0x88, s6;
	s7 =	simm.s32 @p2 $0x1082  }
0x22: {  	[simem:s7], [sflag:s8] =	dma.local @!p0 [hbm:s6], $0xF7A  }
0x23: {  	s9 =	sor.u32 $0xD0000000, s2;
	s6 =	simm.s32 $0x108;
	_ =	swait.ge @!p0 [sflag:s8], $0x0  }
0x24: {  	s3 =	sadd.s32 $0x88, s3;
	s6 =	simm.s32 @!p1 $0x1082;
	[sflag:s4] =	ssyncset.s32 $0xFFFFF086  }
0x25: {  	[simem:s6], [sflag:s4] =	dma.local [hbm:s3], $0xF7A  }
0x26: {  	[smem:$0x3F9F] =	sst s1;
	(tag) =	ssettag s2;
	_ =	strace s9  }
0x27: {  	s1 =	sld [smem:$0x3FAF]  }
0x28: {  	s2 =	sld [smem:$0x3FB0]  }
0x29: {  	s4 =	sld [smem:$0x3FB2]  }
0x2a: {  	p0 =	seq.s32 s5, $0x0;
	s5 =	sld [smem:$0x3FB3]  }
0x2b: {  	s6 =	sld [smem:$0x3FB4]  }
0x2c: {  	s7 =	sld [smem:$0x3FB5]  }
0x2d: {  	s3 =	simm.s32 $0x108;
	s8 =	sld [smem:$0x3FB6]  }
0x2e: {  	s3 =	simm.s32 @!p0 $0x1082;
	s9 =	sld [smem:$0x3FB7]  }
0x2f: {  	lr =	sadd.s32 s0, s3;
	s0 =	sld [smem:$0x3FAE]  }
0x30: {  	s3 =	sld [smem:$0x3FB1]  }
0x31: {  	[smem:$0x3FBA] =	sst s10  }
0x32: {  	s10 =	sld [smem:$0x3FB8];
	_ =	sdelay $0x3  }
0x33: {  	p0 =	seq.s32 s10, $0x1;
	s10 =	sld [smem:$0x3FBA];
	_ =	sdelay $0x3  }
0x34: {  	[smem:$0x3FBA] =	sst s10  }
0x35: {  	s10 =	sld [smem:$0x3FB9];
	_ =	sdelay $0x3  }
0x36: {  	p1 =	seq.s32 s10, $0x1;
	s10 =	sld [smem:$0x3FBA];
	_ =	sdelay $0x3  }
0x37: {  	[smem:$0x3FBA] =	sst s10  }
0x38: {  	s10 =	sld [smem:$0x3FBB]  }
0x39: {  	_ = 	snop;
	(pc) =	sbr.ind lr, $3  }
0x3a: {  	_ = 	snop  }
0x3b: {  	_ = 	snop  }
0x3c: {  	p2 =	seq.s32 s10, $0x1;
	s10 =	sld [smem:$0x3FBA]  }
0x3d: {  	_ =	shalt  }
0x3e: {  	_ =	shalt  }
0x3f: {  	_ =	shalt  }
0x40: {  	_ =	shalt  }
0x41: {  	_ =	shalt  }
0x42: {  	_ =	shalt  }
0x43: {  	_ =	shalt  }
0x44: {  	_ =	shalt  }
0x45: {  	_ =	shalt  }
0x46: {  	_ =	shalt  }
0x47: {  	_ =	shalt  }
0x48: {  	_ =	shalt  }
0x49: {  	_ =	shalt  }
0x4a: {  	_ =	shalt  }
0x4b: {  	_ =	shalt  }
0x4c: {  	_ =	shalt  }
0x4d: {  	_ =	shalt  }
0x4e: {  	_ =	shalt  }
0x4f: {  	_ =	shalt  }
0x50: {  	_ =	shalt  }
0x51: {  	_ =	shalt  }
0x52: {  	_ =	shalt  }
0x53: {  	_ =	shalt  }
0x54: {  	_ =	shalt  }
0x55: {  	_ =	shalt  }
0x56: {  	_ =	shalt  }
0x57: {  	_ =	shalt  }
0x58: {  	_ =	shalt  }
0x59: {  	_ =	shalt  }
0x5a: {  	_ =	shalt  }
0x5b: {  	_ =	shalt  }
0x5c: {  	_ =	shalt  }
0x5d: {  	_ =	shalt  }
0x5e: {  	_ =	shalt  }
0x5f: {  	_ =	shalt  }
0x60: {  	_ =	shalt  }
0x61: {  	_ =	shalt  }
0x62: {  	_ =	shalt  }
0x63: {  	_ =	shalt  }
0x64: {  	_ =	shalt  }
0x65: {  	_ =	shalt  }
0x66: {  	_ =	shalt  }
0x67: {  	_ =	shalt  }
0x68: {  	_ =	shalt  }
0x69: {  	_ =	shalt  }
0x6a: {  	_ =	shalt  }
0x6b: {  	_ =	shalt  }
0x6c: {  	_ =	shalt  }
0x6d: {  	_ =	shalt  }
0x6e: {  	_ =	shalt  }
0x6f: {  	_ =	shalt  }
0x70: {  	_ =	shalt  }
0x71: {  	_ =	shalt  }
0x72: {  	_ =	shalt  }
0x73: {  	_ =	shalt  }
0x74: {  	_ =	shalt  }
0x75: {  	_ =	shalt  }
0x76: {  	_ =	shalt  }
0x77: {  	_ =	shalt  }
0x78: {  	_ =	shalt  }
0x79: {  	_ =	shalt  }
0x7a: {  	_ =	shalt  }
0x7b: {  	_ =	shalt  }
0x7c: {  	_ =	shalt  }
0x7d: {  	_ =	shalt  }
0x7e: {  	_ =	shalt  }
0x7f: {  	_ =	shalt  }
0x80: {  	_ =	shalt  }
0x81: {  	_ =	shalt  }
0x82: {  	_ =	shalt  }
0x83: {  	_ =	shalt  }
0x84: {  	_ =	shalt  }
0x85: {  	_ =	shalt  }
0x86: {  	_ =	shalt  }
0x87: {  	_ =	shalt  }
.Lfunc_end0:
.L_simem_size_0:
called_computation_lowered:
.L_overlay_start_0:
0x88: {  	s2 =	sld [smem:$0x3FD9]  }
0x89: {  	s3 =	sld [smem:$0x3FFE];
	_ =	sdelay $0x1  }
0x8a: {  	s1 =	srdreg.scid  }
0x8b: {  	s0 =	sand.u32 $0x1, s1  }
0x8c: {  	s17 =	sshll.u32 s0, $0xA;
	s2 =	sadd.s32 s3, s2  }
0x8d: {  	s2 =	sadd.s32 s2, s17  }
0x8e: {  	[smem:$0x3FC6] =	sst s2  }
0x8f: {  	_ = 	snop  }
0x90: {  	s2 =	sld [smem:$0x3FD0];
	(tm) =	ssettm $0x1  }
0x91: {  	s18 =	sld [smem:$0x3FFB];
	_ =	sdelay $0x3  }
0x92: {  	_ =	strace s18  }
0x93: {  	s3 =	sld [smem:$0x3FFC];
	_ =	sdelay $0x3  }
0x94: {  	_ =	strace s3  }
0x95: {  	s3 =	sld [smem:$0x3FFD];
	_ =	sdelay $0x3  }
0x96: {  	_ =	strace s3  }
0x97: {  	_ =	strace $0x8FFFFFFF  }
0x98: {  	s19 =	sld [smem:$0x3FDB];
	_ =	sdelay $0x1  }
0x99: {  	s4 =	simm.s32 $_scs_section_size  }
0x9a: {  	s5 =	simm.s32 $_size__tile_overlayer_lowered;
	s6 =	simm.s32 $_tile_overlayer_lowered  }
0x9b: {  	s22 =	simm.s32 $0x1BFF;
	s21 =	sshll.u32 s6, $0x1;
	s3 =	sadd.s32 s4, s19  }
0x9c: {  	s7 =	simm.s32 $0x0;
	s20 =	sshll.u32 s5, $0x1;
	s5 =	sadd.s32 s21, s3  }
0x9d: {  	[timem:s7], [sflag:s22] =	dma.local [hbm:s5], s20  }
0x9e: {  	_ =	swait.ge [sflag:s22], s20  }
0x9f: {  	s4 =	ssub.s32 $0x0, s20;
	[sflag:s22] =	ssyncset.done $0x0  }
0xa0: {  	[sflag:s22] =	ssyncadd.s32 s4;
	_ =	sdelay $0x1  }
0xa1: {  	s23 =	simm.s32 $0x1B8B  }
0xa2: {  	_ =	swait.ge [sflag:s23], $0x1  }
0xa3: {  	[sflag:s23] =	ssyncset.done $0x0  }
0xa4: {  	s25 =	simm.s32 $0x1B8E;
	s24 =	sld [smem:$0x3FFE];
	[sflag:s23] =	ssyncadd.s32 $0xFFFFFFFF  }
0xa5: {  	s26 =	simm.s32 $execute0_lowered;
	[smem:$0x3FD2] =	sst s25  }
0xa6: {  	s5 =	sshll.u32 s26, $0x1;
	_ =	strace $0x80000046;
	[dreg:$0x1] =	wrdreg $0xFFFFFFFF  }
0xa7: {  	s28 =	simm.s32 $_size_execute0_lowered;
	s3 =	sadd.s32 s3, s5;
	[dreg:$0x0] =	wrdreg $0x0  }
0xa8: {  	s5 =	sshll.u32 s28, $0x1;
	[dreg:$0x2] =	wrdreg s3  }
0xa9: {  	[dreg:$0x3] =	wrdreg s5  }
0xaa: {  	[dreg:$0x4] =	wrdreg $0xC0  }
0xab: {  	_ =	task [dreg:s7], $0x5FFFF  }
0xac: {  	[dreg:$0x1] =	wrdreg $0xFFFFFFFF  }
0xad: {  	[dreg:$0x0] =	wrdreg $0x60  }
0xae: {  	[dreg:$0x2] =	wrdreg s24  }
0xaf: {  	[dreg:$0x3] =	wrdreg s2  }
0xb0: {  	[dreg:$0x4] =	wrdreg $0x190000  }
0xb1: {  	[dreg:$0x5] =	wrdreg $0x9  }
0xb2: {  	_ =	task.clear_ibuf [dreg:s7], $0x6FFFF;
	_ =	strace $0x90000046  }
0xb3: {  	s29 =	simm.s32 $0x9;
	_ =	strace $0x80000048  }
0xb4: {  	_ =	swait.ge [sflag:s29], $0x1  }
0xb5: {  	[sflag:s29] =	ssyncadd.s32 $0xFFFFFFFF  }
0xb6: {  	_ =	strace $0x90000048  }
0xb7: {  	_ =	sfence  }
0xb8: {  	s30 =	sld [smem:$0x0];
	_ =	sdelay $0x2  }
0xb9: {  	s31 =	sshll.u32 s1, $0xD;
	s1 =	sshrl.u32 s1, $0x2  }
0xba: {  	s3 =	sand.u32 $0x4000, s31;
	s1 =	sadd.s32 s1, s30  }
0xbb: {  	s0 =	sor.u32 s3, s0;
	s1 =	sshll.u32 s1, $0x11  }
0xbc: {  	s0 =	sor.u32 s1, s0  }
0xbd: {  	s0 =	sadd.s32 $0x8F2B, s0  }
0xbe: {  	[sflag:s0] =	ssyncadd.remote.s32 $0x1  }
0xbf: {  	_ =	sfence.sel $0xFFFF  }
0xc0: {  	[dreg:$0x0] =	wrdreg $0xFFFFFFFF;
	(pc) =	sbr.abs _section_cstart, $3  }
0xc1: {  	[dreg:$0x1] =	wrdreg $0xFFFFFFFF  }
0xc2: {  	_ =	task.clear_ibuf [dreg:s7], $0x2FFFF;
	_ =	strace $0x9FFFFFFF  }
0xc3: {  	(tm) =	ssettm $0x7FFFFFFF  }
tec
execute0_lowered:
.L_overlay_start_1:
0x0: {  	(tag) =	ssettag $0x1  }
0x1: {  	s0 =	srdreg.scid  }
0x2: {  	s3 =	stileid.u32;
	s4 =	rddreg [dreg:$0x0]  }
0x3: {  	s5 =	rddreg [dreg:$0x1];
	s2 =	simm.s32 $0x0;
	s13 =	simm.s32 $0x9  }
0x4: {  	s14 =	simm.s32 $0x6400;
	s15 =	simm.s32 $0xC8;
	s16 =	simm.s32 $0xC800  }
0x5: {  	s17 =	simm.s32 $0x12C00;
	s18 =	simm.s32 $0xFA00;
	s20 =	simm.s32 $0x15E00  }
0x6: {  	s21 =	simm.s32 $0x1;
	s28 =	simm.s32 $0x5;
	s29 =	simm.s32 $0x7  }
0x7: {  	s30 =	simm.s32 $0x6;
	s31 =	simm.s32 $0x8;
	s0 =	sand.u32 $0x1, s0  }
0x8: {  	s1 =	sshll.u32 s3, $0x1;
	[smem:$0x7FF] =	sst s2;
	s12 =	smul.u32 $0xC8000, s3  }
0x9: {  	s6 =	sor.u32 s0, s1;
	s8 =	ssub.s32 $0x2, s0;
	s0 =	smul.u32 $0x64000, s0  }
0xa: {  	s10 =	sadd.s32 $0x8, s5;
	p0 =	sne.s32 s3, $0x0;
	s7 =	smul.u32 $0x6400, s6  }
0xb: {  	s1 =	rddreg [dreg:$0x2];
	_ =	strace $0x80000047;
	s9 =	smul.u32 $0x64000, s6  }
0xc: {  	s22 =	sshrl.u32 s8, $0x1;
	s26 =	sadd.s32 s12, s5;
	s12 =	sshrl.u32 @!p0 s1, $0x3  }
0xd: {  	s7 =	sshrl.u32 s7, $0x3;
	s25 =	sadd.s32 $0x62700, s9;
	s11 =	sadd.s32 $0x63380, s9  }
0xe: {  	s7 =	sadd.s32 s7, s4;
	s4 =	sadd.s32 $0x800, s4;
	s9 =	sadd.s32 s5, s11  }
0xf: {  	[dreg:$0x4] =	wrdreg s4;
	s4 =	ssub.s32 s8, s22;
	s23 =	sadd.s32 $0x21800, s7  }
0x10: {  	s24 =	sadd.s32 $0x8800, s7;
	s7 =	sadd.s32 s5, s25;
	s8 =	sadd.s32 s25, s10  }
0x11: {  	s10 =	sadd.s32 s11, s10;
	s11 =	sadd.s32 s0, s26;
	s22 =	simm.s32 $0x40  }
0x12: {  	s25 =	simm.s32 $0x2;
	s26 =	simm.s32 $0x4;
	[dreg:$0x5] =	wrdreg s23  }
0x13: {  	s0 =	simm.s32 $0x0;
	[dreg:$0x6] =	wrdreg s24;
	s4 =	smax.u32 s4, $0x1  }
0x14: {  	s23 =	simm.s32 $0x80;
	s24 =	simm.s32 $0x3;
	[dreg:$0x7] =	wrdreg s4  }
.LBB2_1:
0x15: {  	s3 =	simm.s32 @!p0 $0x1C09;
	s4 =	rddreg [dreg:$0x4]  }
0x16: {  	[spmem:s12], [sflag:s3] =	dma.local @!p0 [hbm:s4], $0x8000  }
0x17: {  	s3 =	simm.s32 @!p0 $0x9  }
0x18: {  	_ =	swait.ge @!p0 [sflag:s3], $0x8000  }
0x19: {  	[sflag:s3] =	ssyncset.done @!p0 $0x0  }
0x1a: {  	s6 =	rddreg [dreg:$0x5];
	[sflag:s3] =	ssyncadd.s32 @!p0 $0xFFFF8000  }
0x1b: {  	[tilespmem:s2], [sflag:$0x9] =	stream.linear.gather [hbm4b:s6+s2], $0x6400, $0x38;
	[tilespmem:$0x1D000] =	vst v63  }
0x1c: {  	_ =	swait.ge [sflag:s13], $0x6400  }
0x1d: {  	[sflag:s13] =	ssyncset.done $0x0  }
0x1e: {  	s19 =	rddreg [dreg:$0x6];
	[sflag:s13] =	ssyncadd.s32 $0xFFFF9C00  }
0x1f: {  	[tilespmem:s14], [sflag:$0x9] =	stream.linear.gather [hbm4b:s19+s2], $0x6400, $0x38;
	[tilespmem:$0x1D000] =	vst v63  }
0x20: {  	_ =	swait.ge [sflag:s13], $0x6400  }
0x21: {  	[sflag:s13] =	ssyncset.done $0x0  }
0x22: {  	[sflag:s13] =	ssyncadd.s32 $0xFFFF9C00  }
0x23: {  	[bflag:$0x0] =	sbarrier.arrive $0xFFFF  }
0x24: {  	[tilespmem:s16], [sflag:$0x1] =	stream.indirect.gather [spmem:s1], $0x40, s2, s15, $0xb8;
	[tilespmem:$0x1D000] =	vst v63  }
0x25: {  	_ = 	snop  }
0x26: {  	[tilespmem:s17], [sflag:$0x3] =	stream.indirect.gather [spmem:s1], $0x40, s14, s15, $0xb8;
	[tilespmem:$0x1D000] =	vst v63  }
0x27: {  	_ = 	snop  }
0x28: {  	[tilespmem:s18], [sflag:$0x2] =	stream.indirect.gather [spmem:s1], $0x40, s15, s15, $0xb8;
	[tilespmem:$0x1D000] =	vst v63  }
0x29: {  	s4 =	simm.s32 $0x64C8  }
0x2a: {  	[tilespmem:s20], [sflag:$0x4] =	stream.indirect.gather [spmem:s1], $0x40, s4, s15, $0xb8;
	[tilespmem:$0x1D000] =	vst v63  }
0x2b: {  	_ =	swait.ge [sflag:s21], $0x3200  }
0x2c: {  	[sflag:s21] =	ssyncset.done $0x0  }
0x2d: {  	s5 =	sadd.s32 $0x0, s11;
	[sflag:s21] =	ssyncadd.s32 $0xFFFFCE00  }
0x2e: {  	[hbm4b:s5+s22] =	stream.strided.scatter [tilespmem:s16], [sflag:$0x5], $0x3200, s23, s22, $0x38;
	[tilespmem:$0x1D000] =	vst v63  }
0x2f: {  	_ =	swait.ge [sflag:s24], $0x3200  }
0x30: {  	[sflag:s24] =	ssyncset.done $0x0  }
0x31: {  	s6 =	sadd.s32 $0x8, s5;
	[sflag:s24] =	ssyncadd.s32 $0xFFFFCE00  }
0x32: {  	[hbm4b:s6+s22] =	stream.strided.scatter [tilespmem:s17], [sflag:$0x7], $0x3200, s23, s22, $0x38;
	[tilespmem:$0x1D000] =	vst v63  }
0x33: {  	_ =	swait.ge [sflag:s25], $0x3200  }
0x34: {  	[sflag:s25] =	ssyncset.done $0x0  }
0x35: {  	s19 =	sadd.s32 $0xC80, s5;
	[sflag:s25] =	ssyncadd.s32 $0xFFFFCE00  }
0x36: {  	[hbm4b:s19+s22] =	stream.strided.scatter [tilespmem:s18], [sflag:$0x6], $0x3200, s23, s22, $0x38;
	[tilespmem:$0x1D000] =	vst v63  }
0x37: {  	_ =	swait.ge [sflag:s26], $0x3200  }
0x38: {  	[sflag:s26] =	ssyncset.done $0x0  }
0x39: {  	s3 =	sadd.s32 $0xC88, s5;
	[sflag:s26] =	ssyncadd.s32 $0xFFFFCE00  }
0x3a: {  	[hbm4b:s3+s22] =	stream.strided.scatter [tilespmem:s20], [sflag:$0x8], $0x3200, s23, s22, $0x38;
	[tilespmem:$0x1D000] =	vst v63  }
0x3b: {  	_ =	swait.ge [sflag:s28], $0x3200  }
0x3c: {  	[sflag:s28] =	ssyncset.done $0x0  }
0x3d: {  	[sflag:s28] =	ssyncadd.s32 $0xFFFFCE00  }
0x3e: {  	_ =	swait.ge [sflag:s29], $0x3200  }
0x3f: {  	[sflag:s29] =	ssyncset.done $0x0  }
0x40: {  	s5 =	simm.s32 $0x190;
	[sflag:s29] =	ssyncadd.s32 $0xFFFFCE00  }
0x41: {  	[tilespmem:s16], [sflag:$0x1] =	stream.indirect.gather [spmem:s1], $0x40, s5, s15, $0xb8;
	[tilespmem:$0x1D000] =	vst v63  }
0x42: {  	s6 =	simm.s32 $0x6590  }
0x43: {  	[tilespmem:s17], [sflag:$0x3] =	stream.indirect.gather [spmem:s1], $0x40, s6, s15, $0xb8;
	[tilespmem:$0x1D000] =	vst v63  }
0x44: {  	_ =	swait.ge [sflag:s30], $0x3200  }
0x45: {  	[sflag:s30] =	ssyncset.done $0x0  }
0x46: {  	[sflag:s30] =	ssyncadd.s32 $0xFFFFCE00  }
0x47: {  	_ =	swait.ge [sflag:s31], $0x3200  }
0x48: {  	[sflag:s31] =	ssyncset.done $0x0  }
0x49: {  	s4 =	simm.s32 $0x320;
	s19 =	simm.s32 $0x258;
	[sflag:s31] =	ssyncadd.s32 $0xFFFFCE00  }
0x4a: {  	[tilespmem:s18], [sflag:$0x2] =	stream.indirect.gather [spmem:s1], $0x40, s19, s15, $0xb8;
	[tilespmem:$0x1D000] =	vst v63  }
0x4b: {  	s3 =	simm.s32 $0x6720;
	s5 =	simm.s32 $0x6658;
	s19 =	simm.s32 $0x1900  }
.LBB2_2:
0x4c: {  	[tilespmem:s20], [sflag:$0x4] =	stream.indirect.gather [spmem:s1], $0x40, s5, s15, $0xb8;
	[tilespmem:$0x1D000] =	vst v63  }
0x4d: {  	s5 =	smov.u32 s19  }
0x4e: {  	p1 =	sne.s32 s19, $0x60E00;
	s19 =	sadd.s32 $0x1900, s19;
	_ =	swait.ge [sflag:s21], $0x3200  }
0x4f: {  	[sflag:s21] =	ssyncset.done $0x0  }
0x50: {  	s5 =	sadd.s32 s5, s11;
	[sflag:s21] =	ssyncadd.s32 $0xFFFFCE00  }
0x51: {  	[hbm4b:s5+s22] =	stream.strided.scatter [tilespmem:s16], [sflag:$0x5], $0x3200, s23, s22, $0x38;
	[tilespmem:$0x1D000] =	vst v63  }
0x52: {  	_ =	swait.ge [sflag:s24], $0x3200  }
0x53: {  	[sflag:s24] =	ssyncset.done $0x0  }
0x54: {  	s6 =	sadd.s32 $0x8, s5;
	[sflag:s24] =	ssyncadd.s32 $0xFFFFCE00  }
0x55: {  	[hbm4b:s6+s22] =	stream.strided.scatter [tilespmem:s17], [sflag:$0x7], $0x3200, s23, s22, $0x38;
	[tilespmem:$0x1D000] =	vst v63  }
0x56: {  	_ =	swait.ge [sflag:s25], $0x3200  }
0x57: {  	[sflag:s25] =	ssyncset.done $0x0  }
0x58: {  	s6 =	sadd.s32 $0xC80, s5;
	[sflag:s25] =	ssyncadd.s32 $0xFFFFCE00  }
0x59: {  	[hbm4b:s6+s22] =	stream.strided.scatter [tilespmem:s18], [sflag:$0x6], $0x3200, s23, s22, $0x38;
	[tilespmem:$0x1D000] =	vst v63  }
0x5a: {  	_ =	swait.ge [sflag:s26], $0x3200  }
0x5b: {  	[sflag:s26] =	ssyncset.done $0x0  }
0x5c: {  	s5 =	sadd.s32 $0xC88, s5;
	[sflag:s26] =	ssyncadd.s32 $0xFFFFCE00  }
0x5d: {  	[hbm4b:s5+s22] =	stream.strided.scatter [tilespmem:s20], [sflag:$0x8], $0x3200, s23, s22, $0x38;
	[tilespmem:$0x1D000] =	vst v63  }
0x5e: {  	_ =	swait.ge [sflag:s28], $0x3200  }
0x5f: {  	[sflag:s28] =	ssyncset.done $0x0  }
0x60: {  	[sflag:s28] =	ssyncadd.s32 $0xFFFFCE00  }
0x61: {  	_ =	swait.ge [sflag:s29], $0x3200  }
0x62: {  	[sflag:s29] =	ssyncset.done $0x0  }
0x63: {  	[sflag:s29] =	ssyncadd.s32 $0xFFFFCE00  }
0x64: {  	[tilespmem:s16], [sflag:$0x1] =	stream.indirect.gather [spmem:s1], $0x40, s4, s15, $0xb8;
	[tilespmem:$0x1D000] =	vst v63  }
0x65: {  	_ = 	snop  }
0x66: {  	[tilespmem:s17], [sflag:$0x3] =	stream.indirect.gather [spmem:s1], $0x40, s3, s15, $0xb8;
	[tilespmem:$0x1D000] =	vst v63  }
0x67: {  	_ =	swait.ge [sflag:s30], $0x3200  }
0x68: {  	[sflag:s30] =	ssyncset.done $0x0  }
0x69: {  	[sflag:s30] =	ssyncadd.s32 $0xFFFFCE00  }
.Ltmp0:
0x6a: {  	_ =	swait.ge [sflag:s31], $0x3200;
	(pc) =	sbr.rel @p1 .LBB2_2-.Ltmp0, $4  }
0x6b: {  	[sflag:s31] =	ssyncset.done $0x0  }
0x6c: {  	s5 =	sadd.s32 $0xC8, s4;
	[sflag:s31] =	ssyncadd.s32 $0xFFFFCE00  }
0x6d: {  	[tilespmem:s18], [sflag:$0x2] =	stream.indirect.gather [spmem:s1], $0x40, s5, s15, $0xb8;
	[tilespmem:$0x1D000] =	vst v63  }
0x6e: {  	s4 =	sadd.s32 $0x190, s4;
	s5 =	sadd.s32 $0xC8, s3;
	s3 =	sadd.s32 $0x190, s3  }
0x6f: {  	[tilespmem:s20], [sflag:$0x4] =	stream.indirect.gather [spmem:s1], $0x40, s5, s15, $0xb8;
	[tilespmem:$0x1D000] =	vst v63  }
0x70: {  	_ =	swait.ge [sflag:s21], $0x3200  }
0x71: {  	[sflag:s21] =	ssyncset.done $0x0  }
0x72: {  	[sflag:s21] =	ssyncadd.s32 $0xFFFFCE00  }
0x73: {  	[hbm4b:s7+s22] =	stream.strided.scatter [tilespmem:s16], [sflag:$0x5], $0x3200, s23, s22, $0x38;
	[tilespmem:$0x1D000] =	vst v63  }
0x74: {  	_ =	swait.ge [sflag:s24], $0x3200  }
0x75: {  	[sflag:s24] =	ssyncset.done $0x0  }
0x76: {  	[sflag:s24] =	ssyncadd.s32 $0xFFFFCE00  }
0x77: {  	[hbm4b:s8+s22] =	stream.strided.scatter [tilespmem:s17], [sflag:$0x7], $0x3200, s23, s22, $0x38;
	[tilespmem:$0x1D000] =	vst v63  }
0x78: {  	_ =	swait.ge [sflag:s25], $0x3200  }
0x79: {  	[sflag:s25] =	ssyncset.done $0x0  }
0x7a: {  	[sflag:s25] =	ssyncadd.s32 $0xFFFFCE00  }
0x7b: {  	[hbm4b:s9+s22] =	stream.strided.scatter [tilespmem:s18], [sflag:$0x6], $0x3200, s23, s22, $0x38;
	[tilespmem:$0x1D000] =	vst v63  }
0x7c: {  	_ =	swait.ge [sflag:s26], $0x3200  }
0x7d: {  	[sflag:s26] =	ssyncset.done $0x0  }
0x7e: {  	[sflag:s26] =	ssyncadd.s32 $0xFFFFCE00  }
0x7f: {  	[hbm4b:s10+s22] =	stream.strided.scatter [tilespmem:s20], [sflag:$0x8], $0x3200, s23, s22, $0x38;
	[tilespmem:$0x1D000] =	vst v63  }
0x80: {  	_ =	swait.ge [sflag:s28], $0x3200  }
0x81: {  	[sflag:s28] =	ssyncset.done $0x0  }
0x82: {  	[sflag:s28] =	ssyncadd.s32 $0xFFFFCE00  }
0x83: {  	_ =	swait.ge [sflag:s29], $0x3200  }
0x84: {  	[sflag:s29] =	ssyncset.done $0x0  }
0x85: {  	[sflag:s29] =	ssyncadd.s32 $0xFFFFCE00  }
0x86: {  	_ =	swait.ge [sflag:s30], $0x3200  }
0x87: {  	[sflag:s30] =	ssyncset.done $0x0  }
0x88: {  	[sflag:s30] =	ssyncadd.s32 $0xFFFFCE00  }
0x89: {  	_ =	swait.ge [sflag:s31], $0x3200  }
0x8a: {  	s0 =	sadd.s32 $0x1, s0;
	s3 =	rddreg [dreg:$0x7]  }
0x8b: {  	p1 =	sne.s32 s0, s3  }
.Ltmp1:
0x8c: {  	_ = 	snop;
	(pc) =	sbr.rel @p1 .LBB2_1-.Ltmp1, $3  }
0x8d: {  	_ =	sdelay $0x1  }
0x8e: {  	[sflag:s31] =	ssyncset.done $0x0  }
0x8f: {  	[sflag:s31] =	ssyncadd.s32 $0xFFFFCE00  }
0x90: {  	_ =	sfence.sel $0x180000  }
0x91: {  	[bflag:$0x0] =	sbarrier.arrive $0xFFFF  }
0x92: {  	_ =	strace $0x90000047  }
0x93: {  	[bflag:$0x2] =	sbarrier.arrive $0xFFFF  }
0x94: {  	s0 =	rddreg [dreg:$0x3]  }
0x95: {  	s0 =	sadd.s32 @!p0 $0x100000, s0  }
0x96: {  	[sflag:s0] =	ssyncadd.tile.s32 @!p0 $0x1;
	_ =	shalt  }
.Lfunc_end2:
_tile_overlayer_lowered:
.L_overlay_start_2:
0x97: {  	(tag) =	ssettag $0x2  }
0x98: {  	s0 =	rddreg [dreg:$0x0];
	s2 =	stileid.u32  }
0x99: {  	s1 =	rddreg [dreg:$0x1];
	p0 =	sne.s32 s2, $0x0  }
0x9a: {  	s3 =	rddreg [dreg:$0x2];
	[bflag:$0x3] =	sbarrier.arrive $0xFFFF;
	s2 =	simm.s32 @!p0 $0x1C09  }
0x9b: {  	[timem:s3], [sflag:s2] =	dma.local @!p0 [hbm:s0], s1  }
0x9c: {  	s0 =	simm.s32 @!p0 $0x9  }
0x9d: {  	_ =	swait.ge @!p0 [sflag:s0], s1  }
0x9e: {  	s1 =	ssub.s32 @!p0 $0x0, s1;
	[sflag:s0] =	ssyncset.done @!p0 $0x0  }
0x9f: {  	[sflag:s0] =	ssyncadd.s32 @!p0 s1  }
0xa0: {  	[bflag:$0x3] =	sbarrier.arrive $0xFFFF  }
0xa1: {  	_ =	shalt  }

</sc_bundles>
